<compile_context>
chip_gen: v7x
topology: tpu7x:2x2x1
jax: 0.10.2.dev20260603
libtpu: 0.0.44.dev20260713+nightly
codegen_flags: <defaults>
</compile_context>

<pallas_src>
import functools

import jax
import jax.numpy as jnp
from jax import lax
from jax.experimental import pallas as pl
from jax.experimental.pallas import tpu as pltpu
from jax.experimental.pallas import tpu_sc as plsc

HIDDEN = 768
NUM_EXPERTS = 8
TOP_K = 2

CHUNK = 1024
NBUF = 6
NW = 32


def _gate_body(x_hbm, wt_ref, logits_ref, xbuf, sem):
    i = pl.program_id(0)
    nchunk = pl.num_programs(0)
    slot = jax.lax.rem(i, NBUF)

    def start(c, s):
        pltpu.make_async_copy(
            x_hbm.at[pl.ds(c * CHUNK, CHUNK)], xbuf.at[s], sem.at[s]
        ).start()

    @pl.when(i == 0)
    def _():
        for b in range(NBUF):
            start(b, b)

    pltpu.make_async_copy(
        x_hbm.at[pl.ds(i * CHUNK, CHUNK)], xbuf.at[slot], sem.at[slot]
    ).wait()

    xb = xbuf[slot]
    logits = jnp.dot(xb, wt_ref[...], preferred_element_type=jnp.float32)
    logits_ref[0] = logits.T

    @pl.when(i + NBUF < nchunk)
    def _():
        start(i + NBUF, slot)


def _sc_topk(lg_hbm, i1_hbm, i2_hbm, w1_hbm, w2_hbm,
             lbuf, i1b, i2b, w1b, w2b):
    wid = lax.axis_index("s") * 2 + lax.axis_index("c")
    pltpu.sync_copy(lg_hbm.at[wid], lbuf)

    def group(g, carry):
        b16 = g * 16
        le = [lbuf[e, pl.ds(b16, 16)] for e in range(NUM_EXPERTS)]
        m1 = le[0]
        i1 = jnp.zeros((16,), jnp.int32)
        for e in range(1, NUM_EXPERTS):
            c = le[e] > m1
            m1 = jnp.where(c, le[e], m1)
            i1 = jnp.where(c, e, i1)
        m2 = jnp.full((16,), -1e30, jnp.float32)
        i2 = jnp.zeros((16,), jnp.int32)
        for e in range(NUM_EXPERTS):
            c = jnp.logical_and(le[e] > m2, i1 != e)
            m2 = jnp.where(c, le[e], m2)
            i2 = jnp.where(c, e, i2)
        ex = jnp.exp(m2 - m1)
        w1 = 1.0 / (1.0 + ex)
        i1b[pl.ds(b16, 16)] = i1
        i2b[pl.ds(b16, 16)] = i2
        w1b[pl.ds(b16, 16)] = w1
        w2b[pl.ds(b16, 16)] = 1.0 - w1
        return carry

    lax.fori_loop(0, CHUNK // 16, group, 0)

    base = wid * CHUNK
    pltpu.sync_copy(i1b, i1_hbm.at[pl.ds(base, CHUNK)])
    pltpu.sync_copy(i2b, i2_hbm.at[pl.ds(base, CHUNK)])
    pltpu.sync_copy(w1b, w1_hbm.at[pl.ds(base, CHUNK)])
    pltpu.sync_copy(w2b, w2_hbm.at[pl.ds(base, CHUNK)])


@jax.jit
def kernel(x, W):
    b, s, h = x.shape
    n = b * s
    x_flat = x.reshape(n, h)
    wt = W.T
    lg = pl.pallas_call(
        _gate_body,
        grid=(n // CHUNK,),
        in_specs=[
            pl.BlockSpec(memory_space=pltpu.HBM),
            pl.BlockSpec((h, NUM_EXPERTS), lambda i: (0, 0)),
        ],
        out_specs=pl.BlockSpec((1, NUM_EXPERTS, CHUNK), lambda i: (i, 0, 0)),
        out_shape=jax.ShapeDtypeStruct((n // CHUNK, NUM_EXPERTS, CHUNK),
                                       jnp.float32),
        scratch_shapes=[
            pltpu.VMEM((NBUF, CHUNK, HIDDEN), jnp.float32),
            pltpu.SemaphoreType.DMA((NBUF,)),
        ],
    )(x_flat, wt)

    mesh = plsc.VectorSubcoreMesh(core_axis_name="c", subcore_axis_name="s")
    topk = functools.partial(
        pl.kernel,
        mesh=mesh,
        out_type=[
            jax.ShapeDtypeStruct((n,), jnp.int32),
            jax.ShapeDtypeStruct((n,), jnp.int32),
            jax.ShapeDtypeStruct((n,), jnp.float32),
            jax.ShapeDtypeStruct((n,), jnp.float32),
        ],
        scratch_types=[
            pltpu.VMEM((NUM_EXPERTS, CHUNK), jnp.float32),
            pltpu.VMEM((CHUNK,), jnp.int32),
            pltpu.VMEM((CHUNK,), jnp.int32),
            pltpu.VMEM((CHUNK,), jnp.float32),
            pltpu.VMEM((CHUNK,), jnp.float32),
        ],
    )(_sc_topk)
    i1, i2, w1, w2 = topk(lg)

    logits = jnp.transpose(lg, (0, 2, 1)).reshape(n, NUM_EXPERTS)
    idx = jnp.stack([i1, i2], axis=-1)
    w = jnp.stack([w1, w2], axis=-1)
    return (logits, idx, w)

# --- scband reference (transcript-rebuilt; emitter-appended) ---
"""Pipeline reference for scband-top-krouter-68728066670791 (READ-ONLY COPY).

The authoritative reference and input builder live on the scoring server;
editing this copy changes nothing except your own understanding.
"""

import jax, jax.numpy as jnp
import numpy as np

HIDDEN = 768
NUM_EXPERTS = 8
TOP_K = 2

def setup_inputs(seed: int = 0) -> dict:
    key = jax.random.key(seed)
    k1, k2 = jax.random.split(key)
    x = jax.random.normal(k1, (4, 8192, HIDDEN), dtype=jnp.float32)
    # nn.Linear(hidden_size, num_experts, bias=False) weight: [num_experts, hidden_size]
    W = jax.random.normal(k2, (NUM_EXPERTS, HIDDEN), dtype=jnp.float32) * (1.0 / np.sqrt(HIDDEN))
    return {"x": x, "W": W}

def reference(x, W):
    batch_size, seq_len, hidden_size = x.shape
    x_flat = x.reshape(-1, hidden_size)
    router_logits = x_flat @ W.T
    expert_weights, expert_indices = jax.lax.top_k(router_logits, TOP_K)
    expert_weights = jax.nn.softmax(expert_weights, axis=-1)
    return (router_logits, expert_indices, expert_weights)

if __name__ == "__main__":
    import jax
    _d = setup_inputs()
    print(jax.jit(kernel)(*tuple(_d.values())))

</pallas_src>

<mosaic_0001>
#map = affine_map<(d0, d1) -> (0, 0, 0)>
#map1 = affine_map<(d0, d1) -> (0)>
module attributes {stable_mosaic.version = 14 : i64} {
  func.func @_sc_topk(%arg0: i32, %arg1: i32, %arg2: memref<32x8x1024xf32, #tpu.memory_space<hbm>>, %arg3: memref<32768xi32, #tpu.memory_space<hbm>>, %arg4: memref<32768xi32, #tpu.memory_space<hbm>>, %arg5: memref<32768xf32, #tpu.memory_space<hbm>>, %arg6: memref<32768xf32, #tpu.memory_space<hbm>>, %arg7: memref<8x1024xf32, #tpu.memory_space<vmem>>, %arg8: memref<1024xi32, #tpu.memory_space<vmem>>, %arg9: memref<1024xi32, #tpu.memory_space<vmem>>, %arg10: memref<1024xf32, #tpu.memory_space<vmem>>, %arg11: memref<1024xf32, #tpu.memory_space<vmem>>) attributes {dimension_semantics = [#tpu.dimension_semantics<core_parallel>, #tpu.dimension_semantics<subcore_parallel>], iteration_bounds = array<i64: 2, 16>, scalar_prefetch = 0 : i64, scratch_operands = 5 : i64, tpu.core_type = #tpu.core_type<sc_vector_subcore>, window_params = [{transform_indices = #map}, {transform_indices = #map1}, {transform_indices = #map1}, {transform_indices = #map1}, {transform_indices = #map1}]} {
    %mul3A = arith.constant 2 : i32
    %mul3A_0 = arith.muli %arg1, %mul3A : i32
    %add3A = arith.addi %mul3A_0, %arg0 : i32
    "tpu.region"() ({
      %run_scoped3A = tpu.sem_alloc : memref<!tpu.dma_semaphore, #tpu.memory_space<semaphore_mem>>
      %dma_start3A = arith.constant 0 : i32
      %dma_start3A_8 = arith.constant 0 : i32
      %dma_start3A_9 = tpu.memref_slice %arg2[%add3A, %dma_start3A, %dma_start3A_8] : memref<32x8x1024xf32, #tpu.memory_space<hbm>> -> memref<1x8x1024xf32, #tpu.memory_space<hbm>>
      %dma_start3A_10 = tpu.memref_squeeze %dma_start3A_9 : memref<1x8x1024xf32, #tpu.memory_space<hbm>> -> memref<8x1024xf32, #tpu.memory_space<hbm>>
      %dma_start3A_11 = arith.constant 0 : i32
      %dma_start3A_12 = arith.constant 0 : i32
      %dma_start3A_13 = tpu.memref_slice %arg2[%add3A, %dma_start3A_11, %dma_start3A_12] : memref<32x8x1024xf32, #tpu.memory_space<hbm>> -> memref<1x8x1024xf32, #tpu.memory_space<hbm>>
      %dma_start3A_14 = tpu.memref_squeeze %dma_start3A_13 : memref<1x8x1024xf32, #tpu.memory_space<hbm>> -> memref<8x1024xf32, #tpu.memory_space<hbm>>
      tpu.enqueue_dma source(%dma_start3A_14 : memref<8x1024xf32, #tpu.memory_space<hbm>>) target(%arg7 : memref<8x1024xf32, #tpu.memory_space<vmem>>) target_semaphore(%run_scoped3A : memref<!tpu.dma_semaphore, #tpu.memory_space<semaphore_mem>>)
      %dma_wait3A = arith.constant 0 : i32
      %dma_wait3A_15 = arith.constant 0 : i32
      %dma_wait3A_16 = tpu.memref_slice %arg2[%add3A, %dma_wait3A, %dma_wait3A_15] : memref<32x8x1024xf32, #tpu.memory_space<hbm>> -> memref<1x8x1024xf32, #tpu.memory_space<hbm>>
      %dma_wait3A_17 = tpu.memref_squeeze %dma_wait3A_16 : memref<1x8x1024xf32, #tpu.memory_space<hbm>> -> memref<8x1024xf32, #tpu.memory_space<hbm>>
      %dma_wait3A_18 = arith.constant 0 : i32
      %dma_wait3A_19 = arith.constant 0 : i32
      %dma_wait3A_20 = tpu.memref_slice %arg2[%add3A, %dma_wait3A_18, %dma_wait3A_19] : memref<32x8x1024xf32, #tpu.memory_space<hbm>> -> memref<1x8x1024xf32, #tpu.memory_space<hbm>>
      %dma_wait3A_21 = tpu.memref_squeeze %dma_wait3A_20 : memref<1x8x1024xf32, #tpu.memory_space<hbm>> -> memref<8x1024xf32, #tpu.memory_space<hbm>>
      tpu.wait_dma2 semaphore(%run_scoped3A : memref<!tpu.dma_semaphore, #tpu.memory_space<semaphore_mem>>) src(%dma_wait3A_21 : memref<8x1024xf32, #tpu.memory_space<hbm>>) dst(%arg7 : memref<8x1024xf32, #tpu.memory_space<vmem>>)
      tpu.yield
    }) : () -> ()
    %scan3A = arith.constant 0 : i32
    %scan3A_1 = arith.constant 0 : i32
    %scan3A_2 = arith.constant 64 : i32
    %scan3A_3 = arith.addi %scan3A_1, %scan3A_2 : i32
    %scan3A_4 = arith.constant 1 : i32
    scf.for %scan3A_8 = %scan3A_1 to %scan3A_3 step %scan3A_4  : i32 {
      %mul3A_9 = arith.constant 16 : i32
      %mul3A_10 = arith.muli %scan3A_8, %mul3A_9 : i32
      %get3A = arith.constant 0 : i32
      %get3A_11 = arith.index_cast %get3A : i32 to index
      %get3A_12 = arith.index_cast %mul3A_10 : i32 to index
      %get3A_13 = tpu.vector_load %arg7[%get3A_11, %get3A_12] {strides = array<i32>} : memref<8x1024xf32, #tpu.memory_space<vmem>>, vector<1x16xf32>,
      %get3A_14 = vector.shape_cast %get3A_13 : vector<1x16xf32> to vector<16xf32>
      %get3A_15 = arith.constant 1 : i32
      %get3A_16 = arith.index_cast %get3A_15 : i32 to index
      %get3A_17 = arith.index_cast %mul3A_10 : i32 to index
      %get3A_18 = tpu.vector_load %arg7[%get3A_16, %get3A_17] {strides = array<i32>} : memref<8x1024xf32, #tpu.memory_space<vmem>>, vector<1x16xf32>,
      %get3A_19 = vector.shape_cast %get3A_18 : vector<1x16xf32> to vector<16xf32>
      %get3A_20 = arith.constant 2 : i32
      %get3A_21 = arith.index_cast %get3A_20 : i32 to index
      %get3A_22 = arith.index_cast %mul3A_10 : i32 to index
      %get3A_23 = tpu.vector_load %arg7[%get3A_21, %get3A_22] {strides = array<i32>} : memref<8x1024xf32, #tpu.memory_space<vmem>>, vector<1x16xf32>,
      %get3A_24 = vector.shape_cast %get3A_23 : vector<1x16xf32> to vector<16xf32>
      %get3A_25 = arith.constant 3 : i32
      %get3A_26 = arith.index_cast %get3A_25 : i32 to index
      %get3A_27 = arith.index_cast %mul3A_10 : i32 to index
      %get3A_28 = tpu.vector_load %arg7[%get3A_26, %get3A_27] {strides = array<i32>} : memref<8x1024xf32, #tpu.memory_space<vmem>>, vector<1x16xf32>,
      %get3A_29 = vector.shape_cast %get3A_28 : vector<1x16xf32> to vector<16xf32>
      %get3A_30 = arith.constant 4 : i32
      %get3A_31 = arith.index_cast %get3A_30 : i32 to index
      %get3A_32 = arith.index_cast %mul3A_10 : i32 to index
      %get3A_33 = tpu.vector_load %arg7[%get3A_31, %get3A_32] {strides = array<i32>} : memref<8x1024xf32, #tpu.memory_space<vmem>>, vector<1x16xf32>,
      %get3A_34 = vector.shape_cast %get3A_33 : vector<1x16xf32> to vector<16xf32>
      %get3A_35 = arith.constant 5 : i32
      %get3A_36 = arith.index_cast %get3A_35 : i32 to index
      %get3A_37 = arith.index_cast %mul3A_10 : i32 to index
      %get3A_38 = tpu.vector_load %arg7[%get3A_36, %get3A_37] {strides = array<i32>} : memref<8x1024xf32, #tpu.memory_space<vmem>>, vector<1x16xf32>,
      %get3A_39 = vector.shape_cast %get3A_38 : vector<1x16xf32> to vector<16xf32>
      %get3A_40 = arith.constant 6 : i32
      %get3A_41 = arith.index_cast %get3A_40 : i32 to index
      %get3A_42 = arith.index_cast %mul3A_10 : i32 to index
      %get3A_43 = tpu.vector_load %arg7[%get3A_41, %get3A_42] {strides = array<i32>} : memref<8x1024xf32, #tpu.memory_space<vmem>>, vector<1x16xf32>,
      %get3A_44 = vector.shape_cast %get3A_43 : vector<1x16xf32> to vector<16xf32>
      %get3A_45 = arith.constant 7 : i32
      %get3A_46 = arith.index_cast %get3A_45 : i32 to index
      %get3A_47 = arith.index_cast %mul3A_10 : i32 to index
      %get3A_48 = tpu.vector_load %arg7[%get3A_46, %get3A_47] {strides = array<i32>} : memref<8x1024xf32, #tpu.memory_space<vmem>>, vector<1x16xf32>,
      %get3A_49 = vector.shape_cast %get3A_48 : vector<1x16xf32> to vector<16xf32>
      %broadcast_in_dim3A = arith.constant 0 : i32
      %broadcast_in_dim3A_50 = vector.broadcast %broadcast_in_dim3A : i32 to vector<16xi32>
      %gt3A = arith.cmpf ogt, %get3A_19, %get3A_14 : vector<16xf32>
      %select_n3A = arith.select %gt3A, %get3A_19, %get3A_14 : vector<16xi1>, vector<16xf32>
      %jit3A = arith.constant 1 : i32
      %broadcast_in_dim3A_51 = vector.broadcast %jit3A : i32 to vector<16xi32>
      %select_n3A_52 = arith.select %gt3A, %broadcast_in_dim3A_51, %broadcast_in_dim3A_50 : vector<16xi1>, vector<16xi32>
      %gt3A_53 = arith.cmpf ogt, %get3A_24, %select_n3A : vector<16xf32>
      %select_n3A_54 = arith.select %gt3A_53, %get3A_24, %select_n3A : vector<16xi1>, vector<16xf32>
      %jit3A_55 = arith.constant 2 : i32
      %broadcast_in_dim3A_56 = vector.broadcast %jit3A_55 : i32 to vector<16xi32>
      %select_n3A_57 = arith.select %gt3A_53, %broadcast_in_dim3A_56, %select_n3A_52 : vector<16xi1>, vector<16xi32>
      %gt3A_58 = arith.cmpf ogt, %get3A_29, %select_n3A_54 : vector<16xf32>
      %select_n3A_59 = arith.select %gt3A_58, %get3A_29, %select_n3A_54 : vector<16xi1>, vector<16xf32>
      %jit3A_60 = arith.constant 3 : i32
      %broadcast_in_dim3A_61 = vector.broadcast %jit3A_60 : i32 to vector<16xi32>
      %select_n3A_62 = arith.select %gt3A_58, %broadcast_in_dim3A_61, %select_n3A_57 : vector<16xi1>, vector<16xi32>
      %gt3A_63 = arith.cmpf ogt, %get3A_34, %select_n3A_59 : vector<16xf32>
      %select_n3A_64 = arith.select %gt3A_63, %get3A_34, %select_n3A_59 : vector<16xi1>, vector<16xf32>
      %jit3A_65 = arith.constant 4 : i32
      %broadcast_in_dim3A_66 = vector.broadcast %jit3A_65 : i32 to vector<16xi32>
      %select_n3A_67 = arith.select %gt3A_63, %broadcast_in_dim3A_66, %select_n3A_62 : vector<16xi1>, vector<16xi32>
      %gt3A_68 = arith.cmpf ogt, %get3A_39, %select_n3A_64 : vector<16xf32>
      %select_n3A_69 = arith.select %gt3A_68, %get3A_39, %select_n3A_64 : vector<16xi1>, vector<16xf32>
      %jit3A_70 = arith.constant 5 : i32
      %broadcast_in_dim3A_71 = vector.broadcast %jit3A_70 : i32 to vector<16xi32>
      %select_n3A_72 = arith.select %gt3A_68, %broadcast_in_dim3A_71, %select_n3A_67 : vector<16xi1>, vector<16xi32>
      %gt3A_73 = arith.cmpf ogt, %get3A_44, %select_n3A_69 : vector<16xf32>
      %select_n3A_74 = arith.select %gt3A_73, %get3A_44, %select_n3A_69 : vector<16xi1>, vector<16xf32>
      %jit3A_75 = arith.constant 6 : i32
      %broadcast_in_dim3A_76 = vector.broadcast %jit3A_75 : i32 to vector<16xi32>
      %select_n3A_77 = arith.select %gt3A_73, %broadcast_in_dim3A_76, %select_n3A_72 : vector<16xi1>, vector<16xi32>
      %gt3A_78 = arith.cmpf ogt, %get3A_49, %select_n3A_74 : vector<16xf32>
      %select_n3A_79 = arith.select %gt3A_78, %get3A_49, %select_n3A_74 : vector<16xi1>, vector<16xf32>
      %jit3A_80 = arith.constant 7 : i32
      %broadcast_in_dim3A_81 = vector.broadcast %jit3A_80 : i32 to vector<16xi32>
      %select_n3A_82 = arith.select %gt3A_78, %broadcast_in_dim3A_81, %select_n3A_77 : vector<16xi1>, vector<16xi32>
      %broadcast_in_dim3A_83 = arith.constant -1.000000e+30 : f32
      %broadcast_in_dim3A_84 = vector.broadcast %broadcast_in_dim3A_83 : f32 to vector<16xf32>
      %broadcast_in_dim3A_85 = arith.constant 0 : i32
      %broadcast_in_dim3A_86 = vector.broadcast %broadcast_in_dim3A_85 : i32 to vector<16xi32>
      %gt3A_87 = arith.cmpf ogt, %get3A_14, %broadcast_in_dim3A_84 : vector<16xf32>
      %ne3A = arith.constant 0 : i32
      %ne3A_88 = vector.broadcast %ne3A : i32 to vector<16xi32>
      %ne3A_89 = arith.cmpi ne, %select_n3A_82, %ne3A_88 : vector<16xi32>
      %and3A = arith.andi %gt3A_87, %ne3A_89 : vector<16xi1>
      %select_n3A_90 = arith.select %and3A, %get3A_14, %broadcast_in_dim3A_84 : vector<16xi1>, vector<16xf32>
      %jit3A_91 = arith.constant 0 : i32
      %broadcast_in_dim3A_92 = vector.broadcast %jit3A_91 : i32 to vector<16xi32>
      %select_n3A_93 = arith.select %and3A, %broadcast_in_dim3A_92, %broadcast_in_dim3A_86 : vector<16xi1>, vector<16xi32>
      %gt3A_94 = arith.cmpf ogt, %get3A_19, %select_n3A_90 : vector<16xf32>
      %ne3A_95 = arith.constant 1 : i32
      %ne3A_96 = vector.broadcast %ne3A_95 : i32 to vector<16xi32>
      %ne3A_97 = arith.cmpi ne, %select_n3A_82, %ne3A_96 : vector<16xi32>
      %and3A_98 = arith.andi %gt3A_94, %ne3A_97 : vector<16xi1>
      %select_n3A_99 = arith.select %and3A_98, %get3A_19, %select_n3A_90 : vector<16xi1>, vector<16xf32>
      %jit3A_100 = arith.constant 1 : i32
      %broadcast_in_dim3A_101 = vector.broadcast %jit3A_100 : i32 to vector<16xi32>
      %select_n3A_102 = arith.select %and3A_98, %broadcast_in_dim3A_101, %select_n3A_93 : vector<16xi1>, vector<16xi32>
      %gt3A_103 = arith.cmpf ogt, %get3A_24, %select_n3A_99 : vector<16xf32>
      %ne3A_104 = arith.constant 2 : i32
      %ne3A_105 = vector.broadcast %ne3A_104 : i32 to vector<16xi32>
      %ne3A_106 = arith.cmpi ne, %select_n3A_82, %ne3A_105 : vector<16xi32>
      %and3A_107 = arith.andi %gt3A_103, %ne3A_106 : vector<16xi1>
      %select_n3A_108 = arith.select %and3A_107, %get3A_24, %select_n3A_99 : vector<16xi1>, vector<16xf32>
      %jit3A_109 = arith.constant 2 : i32
      %broadcast_in_dim3A_110 = vector.broadcast %jit3A_109 : i32 to vector<16xi32>
      %select_n3A_111 = arith.select %and3A_107, %broadcast_in_dim3A_110, %select_n3A_102 : vector<16xi1>, vector<16xi32>
      %gt3A_112 = arith.cmpf ogt, %get3A_29, %select_n3A_108 : vector<16xf32>
      %ne3A_113 = arith.constant 3 : i32
      %ne3A_114 = vector.broadcast %ne3A_113 : i32 to vector<16xi32>
      %ne3A_115 = arith.cmpi ne, %select_n3A_82, %ne3A_114 : vector<16xi32>
      %and3A_116 = arith.andi %gt3A_112, %ne3A_115 : vector<16xi1>
      %select_n3A_117 = arith.select %and3A_116, %get3A_29, %select_n3A_108 : vector<16xi1>, vector<16xf32>
      %jit3A_118 = arith.constant 3 : i32
      %broadcast_in_dim3A_119 = vector.broadcast %jit3A_118 : i32 to vector<16xi32>
      %select_n3A_120 = arith.select %and3A_116, %broadcast_in_dim3A_119, %select_n3A_111 : vector<16xi1>, vector<16xi32>
      %gt3A_121 = arith.cmpf ogt, %get3A_34, %select_n3A_117 : vector<16xf32>
      %ne3A_122 = arith.constant 4 : i32
      %ne3A_123 = vector.broadcast %ne3A_122 : i32 to vector<16xi32>
      %ne3A_124 = arith.cmpi ne, %select_n3A_82, %ne3A_123 : vector<16xi32>
      %and3A_125 = arith.andi %gt3A_121, %ne3A_124 : vector<16xi1>
      %select_n3A_126 = arith.select %and3A_125, %get3A_34, %select_n3A_117 : vector<16xi1>, vector<16xf32>
      %jit3A_127 = arith.constant 4 : i32
      %broadcast_in_dim3A_128 = vector.broadcast %jit3A_127 : i32 to vector<16xi32>
      %select_n3A_129 = arith.select %and3A_125, %broadcast_in_dim3A_128, %select_n3A_120 : vector<16xi1>, vector<16xi32>
      %gt3A_130 = arith.cmpf ogt, %get3A_39, %select_n3A_126 : vector<16xf32>
      %ne3A_131 = arith.constant 5 : i32
      %ne3A_132 = vector.broadcast %ne3A_131 : i32 to vector<16xi32>
      %ne3A_133 = arith.cmpi ne, %select_n3A_82, %ne3A_132 : vector<16xi32>
      %and3A_134 = arith.andi %gt3A_130, %ne3A_133 : vector<16xi1>
      %select_n3A_135 = arith.select %and3A_134, %get3A_39, %select_n3A_126 : vector<16xi1>, vector<16xf32>
      %jit3A_136 = arith.constant 5 : i32
      %broadcast_in_dim3A_137 = vector.broadcast %jit3A_136 : i32 to vector<16xi32>
      %select_n3A_138 = arith.select %and3A_134, %broadcast_in_dim3A_137, %select_n3A_129 : vector<16xi1>, vector<16xi32>
      %gt3A_139 = arith.cmpf ogt, %get3A_44, %select_n3A_135 : vector<16xf32>
      %ne3A_140 = arith.constant 6 : i32
      %ne3A_141 = vector.broadcast %ne3A_140 : i32 to vector<16xi32>
      %ne3A_142 = arith.cmpi ne, %select_n3A_82, %ne3A_141 : vector<16xi32>
      %and3A_143 = arith.andi %gt3A_139, %ne3A_142 : vector<16xi1>
      %select_n3A_144 = arith.select %and3A_143, %get3A_44, %select_n3A_135 : vector<16xi1>, vector<16xf32>
      %jit3A_145 = arith.constant 6 : i32
      %broadcast_in_dim3A_146 = vector.broadcast %jit3A_145 : i32 to vector<16xi32>
      %select_n3A_147 = arith.select %and3A_143, %broadcast_in_dim3A_146, %select_n3A_138 : vector<16xi1>, vector<16xi32>
      %gt3A_148 = arith.cmpf ogt, %get3A_49, %select_n3A_144 : vector<16xf32>
      %ne3A_149 = arith.constant 7 : i32
      %ne3A_150 = vector.broadcast %ne3A_149 : i32 to vector<16xi32>
      %ne3A_151 = arith.cmpi ne, %select_n3A_82, %ne3A_150 : vector<16xi32>
      %and3A_152 = arith.andi %gt3A_148, %ne3A_151 : vector<16xi1>
      %select_n3A_153 = arith.select %and3A_152, %get3A_49, %select_n3A_144 : vector<16xi1>, vector<16xf32>
      %jit3A_154 = arith.constant 7 : i32
      %broadcast_in_dim3A_155 = vector.broadcast %jit3A_154 : i32 to vector<16xi32>
      %select_n3A_156 = arith.select %and3A_152, %broadcast_in_dim3A_155, %select_n3A_147 : vector<16xi1>, vector<16xi32>
      %sub3A = arith.subf %select_n3A_153, %select_n3A_79 : vector<16xf32>
      %exp3A = math.exp %sub3A : vector<16xf32>
      %add3A_157 = arith.constant 1.000000e+00 : f32
      %add3A_158 = vector.broadcast %add3A_157 : f32 to vector<16xf32>
      %add3A_159 = arith.addf %add3A_158, %exp3A : vector<16xf32>
      %div3A = arith.constant 1.000000e+00 : f32
      %div3A_160 = vector.broadcast %div3A : f32 to vector<16xf32>
      %div3A_161 = arith.divf %div3A_160, %add3A_159 : vector<16xf32>
      %swap3A = arith.index_cast %mul3A_10 : i32 to index
      %swap3A_162 = tpu.vector_load %arg8[%swap3A] {strides = array<i32>} : memref<1024xi32, #tpu.memory_space<vmem>>, vector<16xi32>,
      %swap3A_163 = vector.shape_cast %swap3A_162 : vector<16xi32> to vector<16xi32>
      %swap3A_164 = vector.shape_cast %select_n3A_82 : vector<16xi32> to vector<16xi32>
      tpu.vector_store %arg8[%swap3A], %swap3A_164 {strides = array<i32>} : memref<1024xi32, #tpu.memory_space<vmem>>, vector<16xi32>,
      %swap3A_165 = arith.index_cast %mul3A_10 : i32 to index
      %swap3A_166 = tpu.vector_load %arg9[%swap3A_165] {strides = array<i32>} : memref<1024xi32, #tpu.memory_space<vmem>>, vector<16xi32>,
      %swap3A_167 = vector.shape_cast %swap3A_166 : vector<16xi32> to vector<16xi32>
      %swap3A_168 = vector.shape_cast %select_n3A_156 : vector<16xi32> to vector<16xi32>
      tpu.vector_store %arg9[%swap3A_165], %swap3A_168 {strides = array<i32>} : memref<1024xi32, #tpu.memory_space<vmem>>, vector<16xi32>,
      %swap3A_169 = arith.index_cast %mul3A_10 : i32 to index
      %swap3A_170 = tpu.vector_load %arg10[%swap3A_169] {strides = array<i32>} : memref<1024xf32, #tpu.memory_space<vmem>>, vector<16xf32>,
      %swap3A_171 = vector.shape_cast %swap3A_170 : vector<16xf32> to vector<16xf32>
      %swap3A_172 = vector.shape_cast %div3A_161 : vector<16xf32> to vector<16xf32>
      tpu.vector_store %arg10[%swap3A_169], %swap3A_172 {strides = array<i32>} : memref<1024xf32, #tpu.memory_space<vmem>>, vector<16xf32>,
      %sub3A_173 = arith.constant 1.000000e+00 : f32
      %sub3A_174 = vector.broadcast %sub3A_173 : f32 to vector<16xf32>
      %sub3A_175 = arith.subf %sub3A_174, %div3A_161 : vector<16xf32>
      %swap3A_176 = arith.index_cast %mul3A_10 : i32 to index
      %swap3A_177 = tpu.vector_load %arg11[%swap3A_176] {strides = array<i32>} : memref<1024xf32, #tpu.memory_space<vmem>>, vector<16xf32>,
      %swap3A_178 = vector.shape_cast %swap3A_177 : vector<16xf32> to vector<16xf32>
      %swap3A_179 = vector.shape_cast %sub3A_175 : vector<16xf32> to vector<16xf32>
      tpu.vector_store %arg11[%swap3A_176], %swap3A_179 {strides = array<i32>} : memref<1024xf32, #tpu.memory_space<vmem>>, vector<16xf32>,
    }
    %scan3A_5 = arith.constant 64 : i32
    %mul3A_6 = arith.constant 1024 : i32
    %mul3A_7 = arith.muli %add3A, %mul3A_6 : i32
    "tpu.region"() ({
      %run_scoped3A = tpu.sem_alloc : memref<!tpu.dma_semaphore, #tpu.memory_space<semaphore_mem>>
      %dma_start3A = tpu.memref_slice %arg3[%mul3A_7] : memref<32768xi32, #tpu.memory_space<hbm>> -> memref<1024xi32, #tpu.memory_space<hbm>>
      %dma_start3A_8 = tpu.memref_slice %arg3[%mul3A_7] : memref<32768xi32, #tpu.memory_space<hbm>> -> memref<1024xi32, #tpu.memory_space<hbm>>
      tpu.enqueue_dma source(%arg8 : memref<1024xi32, #tpu.memory_space<vmem>>) target(%dma_start3A_8 : memref<1024xi32, #tpu.memory_space<hbm>>) target_semaphore(%run_scoped3A : memref<!tpu.dma_semaphore, #tpu.memory_space<semaphore_mem>>)
      %dma_wait3A = tpu.memref_slice %arg3[%mul3A_7] : memref<32768xi32, #tpu.memory_space<hbm>> -> memref<1024xi32, #tpu.memory_space<hbm>>
      %dma_wait3A_9 = tpu.memref_slice %arg3[%mul3A_7] : memref<32768xi32, #tpu.memory_space<hbm>> -> memref<1024xi32, #tpu.memory_space<hbm>>
      tpu.wait_dma2 semaphore(%run_scoped3A : memref<!tpu.dma_semaphore, #tpu.memory_space<semaphore_mem>>) src(%arg8 : memref<1024xi32, #tpu.memory_space<vmem>>) dst(%dma_wait3A_9 : memref<1024xi32, #tpu.memory_space<hbm>>)
      tpu.yield
    }) : () -> ()
    "tpu.region"() ({
      %run_scoped3A = tpu.sem_alloc : memref<!tpu.dma_semaphore, #tpu.memory_space<semaphore_mem>>
      %dma_start3A = tpu.memref_slice %arg4[%mul3A_7] : memref<32768xi32, #tpu.memory_space<hbm>> -> memref<1024xi32, #tpu.memory_space<hbm>>
      %dma_start3A_8 = tpu.memref_slice %arg4[%mul3A_7] : memref<32768xi32, #tpu.memory_space<hbm>> -> memref<1024xi32, #tpu.memory_space<hbm>>
      tpu.enqueue_dma source(%arg9 : memref<1024xi32, #tpu.memory_space<vmem>>) target(%dma_start3A_8 : memref<1024xi32, #tpu.memory_space<hbm>>) target_semaphore(%run_scoped3A : memref<!tpu.dma_semaphore, #tpu.memory_space<semaphore_mem>>)
      %dma_wait3A = tpu.memref_slice %arg4[%mul3A_7] : memref<32768xi32, #tpu.memory_space<hbm>> -> memref<1024xi32, #tpu.memory_space<hbm>>
      %dma_wait3A_9 = tpu.memref_slice %arg4[%mul3A_7] : memref<32768xi32, #tpu.memory_space<hbm>> -> memref<1024xi32, #tpu.memory_space<hbm>>
      tpu.wait_dma2 semaphore(%run_scoped3A : memref<!tpu.dma_semaphore, #tpu.memory_space<semaphore_mem>>) src(%arg9 : memref<1024xi32, #tpu.memory_space<vmem>>) dst(%dma_wait3A_9 : memref<1024xi32, #tpu.memory_space<hbm>>)
      tpu.yield
    }) : () -> ()
    "tpu.region"() ({
      %run_scoped3A = tpu.sem_alloc : memref<!tpu.dma_semaphore, #tpu.memory_space<semaphore_mem>>
      %dma_start3A = tpu.memref_slice %arg5[%mul3A_7] : memref<32768xf32, #tpu.memory_space<hbm>> -> memref<1024xf32, #tpu.memory_space<hbm>>
      %dma_start3A_8 = tpu.memref_slice %arg5[%mul3A_7] : memref<32768xf32, #tpu.memory_space<hbm>> -> memref<1024xf32, #tpu.memory_space<hbm>>
      tpu.enqueue_dma source(%arg10 : memref<1024xf32, #tpu.memory_space<vmem>>) target(%dma_start3A_8 : memref<1024xf32, #tpu.memory_space<hbm>>) target_semaphore(%run_scoped3A : memref<!tpu.dma_semaphore, #tpu.memory_space<semaphore_mem>>)
      %dma_wait3A = tpu.memref_slice %arg5[%mul3A_7] : memref<32768xf32, #tpu.memory_space<hbm>> -> memref<1024xf32, #tpu.memory_space<hbm>>
      %dma_wait3A_9 = tpu.memref_slice %arg5[%mul3A_7] : memref<32768xf32, #tpu.memory_space<hbm>> -> memref<1024xf32, #tpu.memory_space<hbm>>
      tpu.wait_dma2 semaphore(%run_scoped3A : memref<!tpu.dma_semaphore, #tpu.memory_space<semaphore_mem>>) src(%arg10 : memref<1024xf32, #tpu.memory_space<vmem>>) dst(%dma_wait3A_9 : memref<1024xf32, #tpu.memory_space<hbm>>)
      tpu.yield
    }) : () -> ()
    "tpu.region"() ({
      %run_scoped3A = tpu.sem_alloc : memref<!tpu.dma_semaphore, #tpu.memory_space<semaphore_mem>>
      %dma_start3A = tpu.memref_slice %arg6[%mul3A_7] : memref<32768xf32, #tpu.memory_space<hbm>> -> memref<1024xf32, #tpu.memory_space<hbm>>
      %dma_start3A_8 = tpu.memref_slice %arg6[%mul3A_7] : memref<32768xf32, #tpu.memory_space<hbm>> -> memref<1024xf32, #tpu.memory_space<hbm>>
      tpu.enqueue_dma source(%arg11 : memref<1024xf32, #tpu.memory_space<vmem>>) target(%dma_start3A_8 : memref<1024xf32, #tpu.memory_space<hbm>>) target_semaphore(%run_scoped3A : memref<!tpu.dma_semaphore, #tpu.memory_space<semaphore_mem>>)
      %dma_wait3A = tpu.memref_slice %arg6[%mul3A_7] : memref<32768xf32, #tpu.memory_space<hbm>> -> memref<1024xf32, #tpu.memory_space<hbm>>
      %dma_wait3A_9 = tpu.memref_slice %arg6[%mul3A_7] : memref<32768xf32, #tpu.memory_space<hbm>> -> memref<1024xf32, #tpu.memory_space<hbm>>
      tpu.wait_dma2 semaphore(%run_scoped3A : memref<!tpu.dma_semaphore, #tpu.memory_space<semaphore_mem>>) src(%arg11 : memref<1024xf32, #tpu.memory_space<vmem>>) dst(%dma_wait3A_9 : memref<1024xf32, #tpu.memory_space<hbm>>)
      tpu.yield
    }) : () -> ()
    return
  }
}

module attributes {stable_mosaic.version = 14 : i64} {
  func.func @_gate_body(%arg0: i32, %arg1: memref<32768x768xf32, #tpu.memory_space<hbm>>, %arg2: memref<768x8xf32, #tpu.memory_space<vmem>>, %arg3: memref<1x8x1024xf32, #tpu.memory_space<vmem>>, %arg4: memref<6x1024x768xf32, #tpu.memory_space<vmem>>, %arg5: memref<6x!tpu.dma_semaphore, #tpu.memory_space<semaphore_mem>>) attributes {dimension_semantics = [#tpu.dimension_semantics<arbitrary>], iteration_bounds = array<i64: 32>, scalar_prefetch = 0 : i64, scratch_operands = 2 : i64, tpu.core_type = #tpu.core_type<tc>, window_params = [{}, {pipeline_mode = #tpu.pipeline_mode<synchronous>, transform_indices = @transform_1, window_bounds = array<i64: 768, 8>}, {transform_indices = @transform_2, window_bounds = array<i64: 1, 8, 1024>}]} {
    %rem3A = arith.constant 6 : i32
    %rem3A_0 = arith.remsi %arg0, %rem3A : i32
    %eq3A = arith.constant 0 : i32
    %eq3A_1 = arith.cmpi eq, %arg0, %eq3A : i32
    %convert_element_type3A = arith.extui %eq3A_1 : i1 to i32
    %cond3A = arith.constant 0 : i32
    %cond3A_2 = arith.cmpi ne, %convert_element_type3A, %cond3A : i32
    scf.if %cond3A_2 {
      %dma_start3A = arith.constant 0 : i32
      %dma_start3A_29 = arith.constant 0 : i32
      %dma_start3A_30 = tpu.memref_slice %arg5[%dma_start3A_29] : memref<6x!tpu.dma_semaphore, #tpu.memory_space<semaphore_mem>> -> memref<1x!tpu.dma_semaphore, #tpu.memory_space<semaphore_mem>>
      %dma_start3A_31 = tpu.memref_squeeze %dma_start3A_30 : memref<1x!tpu.dma_semaphore, #tpu.memory_space<semaphore_mem>> -> memref<!tpu.dma_semaphore, #tpu.memory_space<semaphore_mem>>
      %dma_start3A_32 = arith.constant 0 : i32
      %dma_start3A_33 = arith.constant 0 : i32
      %dma_start3A_34 = tpu.memref_slice %arg4[%dma_start3A, %dma_start3A_32, %dma_start3A_33] : memref<6x1024x768xf32, #tpu.memory_space<vmem>> -> memref<1x1024x768xf32, #tpu.memory_space<vmem>>
      %dma_start3A_35 = tpu.memref_squeeze %dma_start3A_34 : memref<1x1024x768xf32, #tpu.memory_space<vmem>> -> memref<1024x768xf32, #tpu.memory_space<vmem>>
      %dma_start3A_36 = arith.constant 0 : i32
      %dma_start3A_37 = arith.constant 0 : i32
      %dma_start3A_38 = tpu.memref_slice %arg1[%dma_start3A_36, %dma_start3A_37] : memref<32768x768xf32, #tpu.memory_space<hbm>> -> memref<1024x768xf32, #tpu.memory_space<hbm>>
      tpu.enqueue_dma source(%dma_start3A_38 : memref<1024x768xf32, #tpu.memory_space<hbm>>) target(%dma_start3A_35 : memref<1024x768xf32, #tpu.memory_space<vmem>>) target_semaphore(%dma_start3A_31 : memref<!tpu.dma_semaphore, #tpu.memory_space<semaphore_mem>>)
      %dma_start3A_39 = arith.constant 1 : i32
      %dma_start3A_40 = arith.constant 1 : i32
      %dma_start3A_41 = tpu.memref_slice %arg5[%dma_start3A_40] : memref<6x!tpu.dma_semaphore, #tpu.memory_space<semaphore_mem>> -> memref<1x!tpu.dma_semaphore, #tpu.memory_space<semaphore_mem>>
      %dma_start3A_42 = tpu.memref_squeeze %dma_start3A_41 : memref<1x!tpu.dma_semaphore, #tpu.memory_space<semaphore_mem>> -> memref<!tpu.dma_semaphore, #tpu.memory_space<semaphore_mem>>
      %dma_start3A_43 = arith.constant 0 : i32
      %dma_start3A_44 = arith.constant 0 : i32
      %dma_start3A_45 = tpu.memref_slice %arg4[%dma_start3A_39, %dma_start3A_43, %dma_start3A_44] : memref<6x1024x768xf32, #tpu.memory_space<vmem>> -> memref<1x1024x768xf32, #tpu.memory_space<vmem>>
      %dma_start3A_46 = tpu.memref_squeeze %dma_start3A_45 : memref<1x1024x768xf32, #tpu.memory_space<vmem>> -> memref<1024x768xf32, #tpu.memory_space<vmem>>
      %dma_start3A_47 = arith.constant 1024 : i32
      %dma_start3A_48 = arith.constant 0 : i32
      %dma_start3A_49 = tpu.memref_slice %arg1[%dma_start3A_47, %dma_start3A_48] : memref<32768x768xf32, #tpu.memory_space<hbm>> -> memref<1024x768xf32, #tpu.memory_space<hbm>>
      tpu.enqueue_dma source(%dma_start3A_49 : memref<1024x768xf32, #tpu.memory_space<hbm>>) target(%dma_start3A_46 : memref<1024x768xf32, #tpu.memory_space<vmem>>) target_semaphore(%dma_start3A_42 : memref<!tpu.dma_semaphore, #tpu.memory_space<semaphore_mem>>)
      %dma_start3A_50 = arith.constant 2 : i32
      %dma_start3A_51 = arith.constant 2 : i32
      %dma_start3A_52 = tpu.memref_slice %arg5[%dma_start3A_51] : memref<6x!tpu.dma_semaphore, #tpu.memory_space<semaphore_mem>> -> memref<1x!tpu.dma_semaphore, #tpu.memory_space<semaphore_mem>>
      %dma_start3A_53 = tpu.memref_squeeze %dma_start3A_52 : memref<1x!tpu.dma_semaphore, #tpu.memory_space<semaphore_mem>> -> memref<!tpu.dma_semaphore, #tpu.memory_space<semaphore_mem>>
      %dma_start3A_54 = arith.constant 0 : i32
      %dma_start3A_55 = arith.constant 0 : i32
      %dma_start3A_56 = tpu.memref_slice %arg4[%dma_start3A_50, %dma_start3A_54, %dma_start3A_55] : memref<6x1024x768xf32, #tpu.memory_space<vmem>> -> memref<1x1024x768xf32, #tpu.memory_space<vmem>>
      %dma_start3A_57 = tpu.memref_squeeze %dma_start3A_56 : memref<1x1024x768xf32, #tpu.memory_space<vmem>> -> memref<1024x768xf32, #tpu.memory_space<vmem>>
      %dma_start3A_58 = arith.constant 2048 : i32
      %dma_start3A_59 = arith.constant 0 : i32
      %dma_start3A_60 = tpu.memref_slice %arg1[%dma_start3A_58, %dma_start3A_59] : memref<32768x768xf32, #tpu.memory_space<hbm>> -> memref<1024x768xf32, #tpu.memory_space<hbm>>
      tpu.enqueue_dma source(%dma_start3A_60 : memref<1024x768xf32, #tpu.memory_space<hbm>>) target(%dma_start3A_57 : memref<1024x768xf32, #tpu.memory_space<vmem>>) target_semaphore(%dma_start3A_53 : memref<!tpu.dma_semaphore, #tpu.memory_space<semaphore_mem>>)
      %dma_start3A_61 = arith.constant 3 : i32
      %dma_start3A_62 = arith.constant 3 : i32
      %dma_start3A_63 = tpu.memref_slice %arg5[%dma_start3A_62] : memref<6x!tpu.dma_semaphore, #tpu.memory_space<semaphore_mem>> -> memref<1x!tpu.dma_semaphore, #tpu.memory_space<semaphore_mem>>
      %dma_start3A_64 = tpu.memref_squeeze %dma_start3A_63 : memref<1x!tpu.dma_semaphore, #tpu.memory_space<semaphore_mem>> -> memref<!tpu.dma_semaphore, #tpu.memory_space<semaphore_mem>>
      %dma_start3A_65 = arith.constant 0 : i32
      %dma_start3A_66 = arith.constant 0 : i32
      %dma_start3A_67 = tpu.memref_slice %arg4[%dma_start3A_61, %dma_start3A_65, %dma_start3A_66] : memref<6x1024x768xf32, #tpu.memory_space<vmem>> -> memref<1x1024x768xf32, #tpu.memory_space<vmem>>
      %dma_start3A_68 = tpu.memref_squeeze %dma_start3A_67 : memref<1x1024x768xf32, #tpu.memory_space<vmem>> -> memref<1024x768xf32, #tpu.memory_space<vmem>>
      %dma_start3A_69 = arith.constant 3072 : i32
      %dma_start3A_70 = arith.constant 0 : i32
      %dma_start3A_71 = tpu.memref_slice %arg1[%dma_start3A_69, %dma_start3A_70] : memref<32768x768xf32, #tpu.memory_space<hbm>> -> memref<1024x768xf32, #tpu.memory_space<hbm>>
      tpu.enqueue_dma source(%dma_start3A_71 : memref<1024x768xf32, #tpu.memory_space<hbm>>) target(%dma_start3A_68 : memref<1024x768xf32, #tpu.memory_space<vmem>>) target_semaphore(%dma_start3A_64 : memref<!tpu.dma_semaphore, #tpu.memory_space<semaphore_mem>>)
      %dma_start3A_72 = arith.constant 4 : i32
      %dma_start3A_73 = arith.constant 4 : i32
      %dma_start3A_74 = tpu.memref_slice %arg5[%dma_start3A_73] : memref<6x!tpu.dma_semaphore, #tpu.memory_space<semaphore_mem>> -> memref<1x!tpu.dma_semaphore, #tpu.memory_space<semaphore_mem>>
      %dma_start3A_75 = tpu.memref_squeeze %dma_start3A_74 : memref<1x!tpu.dma_semaphore, #tpu.memory_space<semaphore_mem>> -> memref<!tpu.dma_semaphore, #tpu.memory_space<semaphore_mem>>
      %dma_start3A_76 = arith.constant 0 : i32
      %dma_start3A_77 = arith.constant 0 : i32
      %dma_start3A_78 = tpu.memref_slice %arg4[%dma_start3A_72, %dma_start3A_76, %dma_start3A_77] : memref<6x1024x768xf32, #tpu.memory_space<vmem>> -> memref<1x1024x768xf32, #tpu.memory_space<vmem>>
      %dma_start3A_79 = tpu.memref_squeeze %dma_start3A_78 : memref<1x1024x768xf32, #tpu.memory_space<vmem>> -> memref<1024x768xf32, #tpu.memory_space<vmem>>
      %dma_start3A_80 = arith.constant 4096 : i32
      %dma_start3A_81 = arith.constant 0 : i32
      %dma_start3A_82 = tpu.memref_slice %arg1[%dma_start3A_80, %dma_start3A_81] : memref<32768x768xf32, #tpu.memory_space<hbm>> -> memref<1024x768xf32, #tpu.memory_space<hbm>>
      tpu.enqueue_dma source(%dma_start3A_82 : memref<1024x768xf32, #tpu.memory_space<hbm>>) target(%dma_start3A_79 : memref<1024x768xf32, #tpu.memory_space<vmem>>) target_semaphore(%dma_start3A_75 : memref<!tpu.dma_semaphore, #tpu.memory_space<semaphore_mem>>)
      %dma_start3A_83 = arith.constant 5 : i32
      %dma_start3A_84 = arith.constant 5 : i32
      %dma_start3A_85 = tpu.memref_slice %arg5[%dma_start3A_84] : memref<6x!tpu.dma_semaphore, #tpu.memory_space<semaphore_mem>> -> memref<1x!tpu.dma_semaphore, #tpu.memory_space<semaphore_mem>>
      %dma_start3A_86 = tpu.memref_squeeze %dma_start3A_85 : memref<1x!tpu.dma_semaphore, #tpu.memory_space<semaphore_mem>> -> memref<!tpu.dma_semaphore, #tpu.memory_space<semaphore_mem>>
      %dma_start3A_87 = arith.constant 0 : i32
      %dma_start3A_88 = arith.constant 0 : i32
      %dma_start3A_89 = tpu.memref_slice %arg4[%dma_start3A_83, %dma_start3A_87, %dma_start3A_88] : memref<6x1024x768xf32, #tpu.memory_space<vmem>> -> memref<1x1024x768xf32, #tpu.memory_space<vmem>>
      %dma_start3A_90 = tpu.memref_squeeze %dma_start3A_89 : memref<1x1024x768xf32, #tpu.memory_space<vmem>> -> memref<1024x768xf32, #tpu.memory_space<vmem>>
      %dma_start3A_91 = arith.constant 5120 : i32
      %dma_start3A_92 = arith.constant 0 : i32
      %dma_start3A_93 = tpu.memref_slice %arg1[%dma_start3A_91, %dma_start3A_92] : memref<32768x768xf32, #tpu.memory_space<hbm>> -> memref<1024x768xf32, #tpu.memory_space<hbm>>
      tpu.enqueue_dma source(%dma_start3A_93 : memref<1024x768xf32, #tpu.memory_space<hbm>>) target(%dma_start3A_90 : memref<1024x768xf32, #tpu.memory_space<vmem>>) target_semaphore(%dma_start3A_86 : memref<!tpu.dma_semaphore, #tpu.memory_space<semaphore_mem>>)
    } else {
    }
    %mul3A = arith.constant 1024 : i32
    %mul3A_3 = arith.muli %arg0, %mul3A : i32
    %dma_wait3A = tpu.memref_slice %arg5[%rem3A_0] : memref<6x!tpu.dma_semaphore, #tpu.memory_space<semaphore_mem>> -> memref<1x!tpu.dma_semaphore, #tpu.memory_space<semaphore_mem>>
    %dma_wait3A_4 = tpu.memref_squeeze %dma_wait3A : memref<1x!tpu.dma_semaphore, #tpu.memory_space<semaphore_mem>> -> memref<!tpu.dma_semaphore, #tpu.memory_space<semaphore_mem>>
    %dma_wait3A_5 = arith.constant 0 : i32
    %dma_wait3A_6 = arith.constant 0 : i32
    %dma_wait3A_7 = tpu.memref_slice %arg4[%rem3A_0, %dma_wait3A_5, %dma_wait3A_6] : memref<6x1024x768xf32, #tpu.memory_space<vmem>> -> memref<1x1024x768xf32, #tpu.memory_space<vmem>>
    %dma_wait3A_8 = tpu.memref_squeeze %dma_wait3A_7 : memref<1x1024x768xf32, #tpu.memory_space<vmem>> -> memref<1024x768xf32, #tpu.memory_space<vmem>>
    %dma_wait3A_9 = arith.constant 0 : i32
    %dma_wait3A_10 = tpu.memref_slice %arg1[%mul3A_3, %dma_wait3A_9] : memref<32768x768xf32, #tpu.memory_space<hbm>> -> memref<1024x768xf32, #tpu.memory_space<hbm>>
    tpu.wait_dma2 semaphore(%dma_wait3A_4 : memref<!tpu.dma_semaphore, #tpu.memory_space<semaphore_mem>>) src(%dma_wait3A_10 : memref<1024x768xf32, #tpu.memory_space<hbm>>) dst(%dma_wait3A_8 : memref<1024x768xf32, #tpu.memory_space<vmem>>)
    %get3A = arith.index_cast %rem3A_0 : i32 to index
    %get3A_11 = arith.constant 0 : index
    %get3A_12 = arith.constant 0 : index
    %get3A_13 = vector.load %arg4[%get3A, %get3A_11, %get3A_12] : memref<6x1024x768xf32, #tpu.memory_space<vmem>>, vector<1x1024x768xf32>
    %get3A_14 = vector.shape_cast %get3A_13 : vector<1x1024x768xf32> to vector<1024x768xf32>
    %get3A_15 = arith.constant 0 : index
    %get3A_16 = arith.constant 0 : index
    %get3A_17 = vector.load %arg2[%get3A_15, %get3A_16] : memref<768x8xf32, #tpu.memory_space<vmem>>, vector<768x8xf32>
    %dot_general3A = arith.constant dense<0.000000e+00> : vector<1024x8xf32>
    %dot_general3A_18 = tpu.matmul %get3A_14, %get3A_17, %dot_general3A {dimension_numbers = #tpu.dot_dimension_numbers<[1], [0], [0], [1], [0, 0, 1, 1], [], []>, transpose_lhs_hint = false} : vector<1024x768xf32>, vector<768x8xf32>, vector<1024x8xf32> -> vector<1024x8xf32>
    %transpose3A = tpu.transpose %dot_general3A_18, [1, 0] : vector<1024x8xf32> -> vector<8x1024xf32>
    %swap3A = arith.constant 0 : index
    %swap3A_19 = arith.constant 0 : index
    %swap3A_20 = arith.constant 0 : index
    %swap3A_21 = vector.load %arg3[%swap3A, %swap3A_19, %swap3A_20] : memref<1x8x1024xf32, #tpu.memory_space<vmem>>, vector<1x8x1024xf32>
    %swap3A_22 = vector.shape_cast %swap3A_21 : vector<1x8x1024xf32> to vector<8x1024xf32>
    %swap3A_23 = vector.shape_cast %transpose3A : vector<8x1024xf32> to vector<1x8x1024xf32>
    tpu.vector_store %arg3[%swap3A, %swap3A_19, %swap3A_20], %swap3A_23 {strides = array<i32>} : memref<1x8x1024xf32, #tpu.memory_space<vmem>>, vector<1x8x1024xf32>,
    %add3A = arith.constant 6 : i32
    %add3A_24 = arith.addi %arg0, %add3A : i32
    %lt3A = arith.constant 32 : i32
    %lt3A_25 = arith.cmpi slt, %add3A_24, %lt3A : i32
    %convert_element_type3A_26 = arith.extui %lt3A_25 : i1 to i32
    %cond3A_27 = arith.constant 0 : i32
    %cond3A_28 = arith.cmpi ne, %convert_element_type3A_26, %cond3A_27 : i32
    scf.if %cond3A_28 {
      %add3A_29 = arith.constant 6 : i32
      %add3A_30 = arith.addi %arg0, %add3A_29 : i32
      %mul3A_31 = arith.constant 1024 : i32
      %mul3A_32 = arith.muli %add3A_30, %mul3A_31 : i32
      %dma_start3A = tpu.memref_slice %arg5[%rem3A_0] : memref<6x!tpu.dma_semaphore, #tpu.memory_space<semaphore_mem>> -> memref<1x!tpu.dma_semaphore, #tpu.memory_space<semaphore_mem>>
      %dma_start3A_33 = tpu.memref_squeeze %dma_start3A : memref<1x!tpu.dma_semaphore, #tpu.memory_space<semaphore_mem>> -> memref<!tpu.dma_semaphore, #tpu.memory_space<semaphore_mem>>
      %dma_start3A_34 = arith.constant 0 : i32
      %dma_start3A_35 = arith.constant 0 : i32
      %dma_start3A_36 = tpu.memref_slice %arg4[%rem3A_0, %dma_start3A_34, %dma_start3A_35] : memref<6x1024x768xf32, #tpu.memory_space<vmem>> -> memref<1x1024x768xf32, #tpu.memory_space<vmem>>
      %dma_start3A_37 = tpu.memref_squeeze %dma_start3A_36 : memref<1x1024x768xf32, #tpu.memory_space<vmem>> -> memref<1024x768xf32, #tpu.memory_space<vmem>>
      %dma_start3A_38 = arith.constant 0 : i32
      %dma_start3A_39 = tpu.memref_slice %arg1[%mul3A_32, %dma_start3A_38] : memref<32768x768xf32, #tpu.memory_space<hbm>> -> memref<1024x768xf32, #tpu.memory_space<hbm>>
      tpu.enqueue_dma source(%dma_start3A_39 : memref<1024x768xf32, #tpu.memory_space<hbm>>) target(%dma_start3A_37 : memref<1024x768xf32, #tpu.memory_space<vmem>>) target_semaphore(%dma_start3A_33 : memref<!tpu.dma_semaphore, #tpu.memory_space<semaphore_mem>>)
    } else {
    }
    return
  }
  func.func @transform_1(%arg0: i32) -> (i32, i32) {
    %c0_i32 = arith.constant 0 : i32
    %c0_i32_0 = arith.constant 0 : i32
    %c0_i32_1 = arith.constant 0 : i32
    return %c0_i32, %c0_i32_0 : i32, i32
  }
  func.func @transform_2(%arg0: i32) -> (i32, i32, i32) {
    %c0_i32 = arith.constant 0 : i32
    %c0_i32_0 = arith.constant 0 : i32
    %c0_i32_1 = arith.constant 0 : i32
    return %arg0, %c0_i32, %c0_i32_0 : i32, i32, i32
  }
}

</mosaic_0001>

<sc_bundles>
// kernel: kernel.4.cloned.1.call-start
scs
__scs_entry_jumppad:
0x0: {  	(pc) =	sbr.rel $0x88, $3  }
0x1: {  	(tag) =	ssettag $0x0;
	lr =	simm.s32 $0x1  }
0x2: {  	[smem:$0x3F9F] =	sst lr;
	_ =	strace $0xD0000000  }
0x3: {  	_ = 	snop  }
0x4: {  	_ = 	snop  }
0x5: {  	_ = 	snop  }
0x6: {  	_ = 	snop  }
0x7: {  	_ = 	snop  }
__scs_overlays_trampoline_lowered:
0x8: {  	[smem:$0x3FAE] =	sst s0  }
0x9: {  	[smem:$0x3FAF] =	sst s1  }
0xa: {  	[smem:$0x3FB0] =	sst s2  }
0xb: {  	[smem:$0x3FB1] =	sst s3  }
0xc: {  	[smem:$0x3FB2] =	sst s4  }
0xd: {  	[smem:$0x3FB3] =	sst s5  }
0xe: {  	[smem:$0x3FB4] =	sst s6  }
0xf: {  	[smem:$0x3FB5] =	sst s7  }
0x10: {  	[smem:$0x3FB6] =	sst s8  }
0x11: {  	[smem:$0x3FB7] =	sst s9;
	s0 =	simm.s32 @!p0 $0x0  }
0x12: {  	s1 =	sld [smem:$0x3F9D];
	s0 =	simm.s32 @p0 $0x1  }
0x13: {  	[smem:$0x3FB8] =	sst s0;
	s0 =	simm.s32 @!p1 $0x0  }
0x14: {  	s2 =	sld [smem:$0x3F9C];
	s0 =	simm.s32 @p1 $0x1  }
0x15: {  	[smem:$0x3FB9] =	sst s0;
	s0 =	simm.s32 @!p2 $0x0  }
0x16: {  	s3 =	sld [smem:$0x3FDB];
	s0 =	simm.s32 @p2 $0x1  }
0x17: {  	s4 =	simm.s32 $0x1BF5;
	[smem:$0x3FBB] =	sst s0  }
0x18: {  	s0 =	sld [smem:$0x3F9E];
	_ =	swait.ge [sflag:s4], $0x0  }
0x19: {  	s7 =	sld [smem:$0x3F9F]  }
0x1a: {  	s8 =	sadd.s32 $0xFFFFE003, lr  }
0x1b: {  	s9 =	sadd.s32 $0xFFFFFEF7, lr;
	s5 =	simm.s32 $0xFFFFFFFF;
	p2 =	slt.u32 s8, $0xFFFFF086  }
0x1c: {  	p1 =	slt.u32 s9, $0xF7A;
	s5 =	simm.s32 @!p2 $0x0  }
0x1d: {  	s5 =	simm.s32 @p1 $0x1;
	p0 =	seq.s32 s7, s2  }
0x1e: {  	s7 =	smul.u32 @!p0 $0xF7A, s2;
	p2 =	seq.s32 @!p0 s5, $0x0  }
0x1f: {  	s9 =	smul.u32 $0xF7A, s1;
	s8 =	simm.s32 @!p0 $0x1BF5;
	p2 =	por !p2, p0  }
0x20: {  	[sflag:s8] =	ssyncset.s32 @!p0 $0xFFFFF086;
	s6 =	sadd.s32 @!p0 s3, s7;
	s7 =	simm.s32 @!p0 $0x108  }
0x21: {  	s3 =	sadd.s32 s3, s9;
	s6 =	sadd.s32 @!p0 $0x88, s6;
	s7 =	simm.s32 @p2 $0x1082  }
0x22: {  	[simem:s7], [sflag:s8] =	dma.local @!p0 [hbm:s6], $0xF7A  }
0x23: {  	s9 =	sor.u32 $0xD0000000, s2;
	s6 =	simm.s32 $0x108;
	_ =	swait.ge @!p0 [sflag:s8], $0x0  }
0x24: {  	s3 =	sadd.s32 $0x88, s3;
	s6 =	simm.s32 @!p1 $0x1082;
	[sflag:s4] =	ssyncset.s32 $0xFFFFF086  }
0x25: {  	[simem:s6], [sflag:s4] =	dma.local [hbm:s3], $0xF7A  }
0x26: {  	[smem:$0x3F9F] =	sst s1;
	(tag) =	ssettag s2;
	_ =	strace s9  }
0x27: {  	s1 =	sld [smem:$0x3FAF]  }
0x28: {  	s2 =	sld [smem:$0x3FB0]  }
0x29: {  	s4 =	sld [smem:$0x3FB2]  }
0x2a: {  	p0 =	seq.s32 s5, $0x0;
	s5 =	sld [smem:$0x3FB3]  }
0x2b: {  	s6 =	sld [smem:$0x3FB4]  }
0x2c: {  	s7 =	sld [smem:$0x3FB5]  }
0x2d: {  	s3 =	simm.s32 $0x108;
	s8 =	sld [smem:$0x3FB6]  }
0x2e: {  	s3 =	simm.s32 @!p0 $0x1082;
	s9 =	sld [smem:$0x3FB7]  }
0x2f: {  	lr =	sadd.s32 s0, s3;
	s0 =	sld [smem:$0x3FAE]  }
0x30: {  	s3 =	sld [smem:$0x3FB1]  }
0x31: {  	[smem:$0x3FBA] =	sst s10  }
0x32: {  	s10 =	sld [smem:$0x3FB8];
	_ =	sdelay $0x3  }
0x33: {  	p0 =	seq.s32 s10, $0x1;
	s10 =	sld [smem:$0x3FBA];
	_ =	sdelay $0x3  }
0x34: {  	[smem:$0x3FBA] =	sst s10  }
0x35: {  	s10 =	sld [smem:$0x3FB9];
	_ =	sdelay $0x3  }
0x36: {  	p1 =	seq.s32 s10, $0x1;
	s10 =	sld [smem:$0x3FBA];
	_ =	sdelay $0x3  }
0x37: {  	[smem:$0x3FBA] =	sst s10  }
0x38: {  	s10 =	sld [smem:$0x3FBB]  }
0x39: {  	_ = 	snop;
	(pc) =	sbr.ind lr, $3  }
0x3a: {  	_ = 	snop  }
0x3b: {  	_ = 	snop  }
0x3c: {  	p2 =	seq.s32 s10, $0x1;
	s10 =	sld [smem:$0x3FBA]  }
0x3d: {  	_ =	shalt  }
0x3e: {  	_ =	shalt  }
0x3f: {  	_ =	shalt  }
0x40: {  	_ =	shalt  }
0x41: {  	_ =	shalt  }
0x42: {  	_ =	shalt  }
0x43: {  	_ =	shalt  }
0x44: {  	_ =	shalt  }
0x45: {  	_ =	shalt  }
0x46: {  	_ =	shalt  }
0x47: {  	_ =	shalt  }
0x48: {  	_ =	shalt  }
0x49: {  	_ =	shalt  }
0x4a: {  	_ =	shalt  }
0x4b: {  	_ =	shalt  }
0x4c: {  	_ =	shalt  }
0x4d: {  	_ =	shalt  }
0x4e: {  	_ =	shalt  }
0x4f: {  	_ =	shalt  }
0x50: {  	_ =	shalt  }
0x51: {  	_ =	shalt  }
0x52: {  	_ =	shalt  }
0x53: {  	_ =	shalt  }
0x54: {  	_ =	shalt  }
0x55: {  	_ =	shalt  }
0x56: {  	_ =	shalt  }
0x57: {  	_ =	shalt  }
0x58: {  	_ =	shalt  }
0x59: {  	_ =	shalt  }
0x5a: {  	_ =	shalt  }
0x5b: {  	_ =	shalt  }
0x5c: {  	_ =	shalt  }
0x5d: {  	_ =	shalt  }
0x5e: {  	_ =	shalt  }
0x5f: {  	_ =	shalt  }
0x60: {  	_ =	shalt  }
0x61: {  	_ =	shalt  }
0x62: {  	_ =	shalt  }
0x63: {  	_ =	shalt  }
0x64: {  	_ =	shalt  }
0x65: {  	_ =	shalt  }
0x66: {  	_ =	shalt  }
0x67: {  	_ =	shalt  }
0x68: {  	_ =	shalt  }
0x69: {  	_ =	shalt  }
0x6a: {  	_ =	shalt  }
0x6b: {  	_ =	shalt  }
0x6c: {  	_ =	shalt  }
0x6d: {  	_ =	shalt  }
0x6e: {  	_ =	shalt  }
0x6f: {  	_ =	shalt  }
0x70: {  	_ =	shalt  }
0x71: {  	_ =	shalt  }
0x72: {  	_ =	shalt  }
0x73: {  	_ =	shalt  }
0x74: {  	_ =	shalt  }
0x75: {  	_ =	shalt  }
0x76: {  	_ =	shalt  }
0x77: {  	_ =	shalt  }
0x78: {  	_ =	shalt  }
0x79: {  	_ =	shalt  }
0x7a: {  	_ =	shalt  }
0x7b: {  	_ =	shalt  }
0x7c: {  	_ =	shalt  }
0x7d: {  	_ =	shalt  }
0x7e: {  	_ =	shalt  }
0x7f: {  	_ =	shalt  }
0x80: {  	_ =	shalt  }
0x81: {  	_ =	shalt  }
0x82: {  	_ =	shalt  }
0x83: {  	_ =	shalt  }
0x84: {  	_ =	shalt  }
0x85: {  	_ =	shalt  }
0x86: {  	_ =	shalt  }
0x87: {  	_ =	shalt  }
.Lfunc_end0:
.L_simem_size_0:
called_computation_lowered:
.L_overlay_start_0:
0x88: {  	s2 =	sld [smem:$0x3FD9]  }
0x89: {  	s3 =	sld [smem:$0x3FFE];
	_ =	sdelay $0x1  }
0x8a: {  	s1 =	srdreg.scid  }
0x8b: {  	s0 =	sand.u32 $0x1, s1  }
0x8c: {  	s14 =	sshll.u32 s0, $0xA;
	s2 =	sadd.s32 s3, s2  }
0x8d: {  	s2 =	sadd.s32 s2, s14  }
0x8e: {  	[smem:$0x3FC6] =	sst s2  }
0x8f: {  	_ = 	snop  }
0x90: {  	s2 =	sld [smem:$0x3FD0];
	_ =	sdelay $0x2  }
0x91: {  	s15 =	simm.s32 $0xA;
	s4 =	simm.s32 $0x10  }
0x92: {  	[smem:s4], [sflag:s15] =	dma.local [hbm:s2], $0x1  }
0x93: {  	_ =	swait.eq [sflag:s15], $0x1  }
0x94: {  	[sflag:s15] =	ssyncset.done $0x0  }
0x95: {  	s16 =	sld [smem:$0x10];
	[sflag:s15] =	ssyncadd.s32 $0xFFFFFFFF  }
0x96: {  	s17 =	sld [smem:$0x12];
	(tm) =	ssettm $0x1  }
0x97: {  	s18 =	sld [smem:$0x3FFB];
	_ =	sdelay $0x3  }
0x98: {  	_ =	strace s18  }
0x99: {  	s4 =	sld [smem:$0x3FFC];
	_ =	sdelay $0x3  }
0x9a: {  	_ =	strace s4  }
0x9b: {  	s4 =	sld [smem:$0x3FFD];
	_ =	sdelay $0x3  }
0x9c: {  	_ =	strace s4  }
0x9d: {  	_ =	strace $0x8FFFFFFF  }
0x9e: {  	s19 =	sld [smem:$0x3FDB];
	_ =	sdelay $0x1  }
0x9f: {  	s5 =	simm.s32 $_scs_section_size  }
0xa0: {  	s6 =	simm.s32 $_size__tile_overlayer_lowered;
	s7 =	simm.s32 $_tile_overlayer_lowered  }
0xa1: {  	s22 =	simm.s32 $0x1BFF;
	s21 =	sshll.u32 s7, $0x1;
	s4 =	sadd.s32 s5, s19  }
0xa2: {  	s8 =	simm.s32 $0x0;
	s20 =	sshll.u32 s6, $0x1;
	s6 =	sadd.s32 s21, s4  }
0xa3: {  	[timem:s8], [sflag:s22] =	dma.local [hbm:s6], s20  }
0xa4: {  	_ =	swait.ge [sflag:s22], s20  }
0xa5: {  	s5 =	ssub.s32 $0x0, s20;
	[sflag:s22] =	ssyncset.done $0x0  }
0xa6: {  	[sflag:s22] =	ssyncadd.s32 s5;
	_ =	sdelay $0x1  }
0xa7: {  	s23 =	simm.s32 $0x1B8B  }
0xa8: {  	_ =	swait.ge [sflag:s23], $0x1  }
0xa9: {  	[sflag:s23] =	ssyncset.done $0x0  }
0xaa: {  	s25 =	simm.s32 $0x1B8E;
	s24 =	sld [smem:$0x3FFE];
	[sflag:s23] =	ssyncadd.s32 $0xFFFFFFFF  }
0xab: {  	s26 =	simm.s32 $execute0_lowered;
	[smem:$0x3FD2] =	sst s25  }
0xac: {  	s6 =	sshll.u32 s26, $0x1;
	_ =	strace $0x80000046;
	[dreg:$0x1] =	wrdreg $0xFFFFFFFF  }
0xad: {  	s28 =	simm.s32 $_size_execute0_lowered;
	s4 =	sadd.s32 s4, s6;
	[dreg:$0x0] =	wrdreg $0x0  }
0xae: {  	s6 =	sshll.u32 s28, $0x1;
	[dreg:$0x2] =	wrdreg s4  }
0xaf: {  	[dreg:$0x3] =	wrdreg s6  }
0xb0: {  	[dreg:$0x4] =	wrdreg $0xC0  }
0xb1: {  	_ =	task [dreg:s8], $0x5FFFF  }
0xb2: {  	[dreg:$0x1] =	wrdreg $0xFFFFFFFF  }
0xb3: {  	[dreg:$0x0] =	wrdreg $0x60  }
0xb4: {  	[dreg:$0x2] =	wrdreg s16  }
0xb5: {  	[dreg:$0x3] =	wrdreg s17  }
0xb6: {  	[dreg:$0x4] =	wrdreg s24  }
0xb7: {  	[dreg:$0x5] =	wrdreg $0x9  }
0xb8: {  	_ =	task.clear_ibuf [dreg:s8], $0x6FFFF;
	_ =	strace $0x90000046  }
0xb9: {  	s29 =	simm.s32 $0x9;
	_ =	strace $0x80000048  }
0xba: {  	_ =	swait.ge [sflag:s29], $0x1  }
0xbb: {  	[sflag:s29] =	ssyncadd.s32 $0xFFFFFFFF  }
0xbc: {  	_ =	strace $0x90000048  }
0xbd: {  	_ =	sfence  }
0xbe: {  	s30 =	sld [smem:$0x0];
	_ =	sdelay $0x2  }
0xbf: {  	s31 =	sshll.u32 s1, $0xD;
	s1 =	sshrl.u32 s1, $0x2  }
0xc0: {  	s3 =	sand.u32 $0x4000, s31;
	s1 =	sadd.s32 s1, s30  }
0xc1: {  	s0 =	sor.u32 s3, s0;
	s1 =	sshll.u32 s1, $0x11  }
0xc2: {  	s0 =	sor.u32 s1, s0  }
0xc3: {  	s0 =	sadd.s32 $0x8F2B, s0  }
0xc4: {  	[sflag:s0] =	ssyncadd.remote.s32 $0x1  }
0xc5: {  	_ =	sfence.sel $0xFFFF  }
0xc6: {  	[dreg:$0x0] =	wrdreg $0xFFFFFFFF;
	(pc) =	sbr.abs _section_cstart, $3  }
0xc7: {  	[dreg:$0x1] =	wrdreg $0xFFFFFFFF  }
0xc8: {  	_ =	task.clear_ibuf [dreg:s8], $0x2FFFF;
	_ =	strace $0x9FFFFFFF  }
0xc9: {  	(tm) =	ssettm $0x7FFFFFFF  }
tec
execute0_lowered:
.L_overlay_start_1:
0x0: {  	(tag) =	ssettag $0x1  }
0x1: {  	s3 =	rddreg [dreg:$0x0]  }
0x2: {  	s4 =	rddreg [dreg:$0x1]  }
0x3: {  	s5 =	rddreg [dreg:$0x2]  }
0x4: {  	s0 =	rddreg [dreg:$0x3]  }
0x5: {  	s6 =	srdreg.scid;
	s1 =	stileid.u32  }
0x6: {  	s2 =	simm.s32 $0x0;
	s11 =	simm.s32 $0x2400;
	s12 =	simm.s32 $0x2800  }
0x7: {  	s13 =	simm.s32 $0x2C00;
	s6 =	sand.u32 $0x1, s6;
	s7 =	sshll.u32 s1, $0x1  }
0x8: {  	s14 =	simm.s32 $0x0;
	[smem:$0x7FF] =	sst s2;
	s7 =	sor.u32 s6, s7  }
0x9: {  	s6 =	ssub.s32 $0x2, s6;
	_ =	strace $0x80000047;
	s8 =	sshll.u32 s7, $0x7  }
0xa: {  	s9 =	sshrl.u32 s6, $0x1;
	s31 =	sshll.u32 s7, $0xA;
	s10 =	sadd.s32 s8, s5  }
0xb: {  	s9 =	ssub.s32 s6, s9;
	s3 =	sadd.s32 s3, s31;
	s4 =	sadd.s32 s4, s8  }
0xc: {  	s5 =	sadd.s32 $0x800, s10;
	s6 =	sadd.s32 $0x1800, s10;
	s7 =	sadd.s32 $0x2800, s10  }
0xd: {  	v0 =	vimm.s32 $0x0;
	s8 =	smax.u32 s9, $0x1;
	s9 =	simm.s32 $0x1;
	s10 =	simm.s32 $0x2000  }
.LBB2_1:
0xe: {  	[tilespmem:s2], [sflag:$0x1] =	stream.linear.gather [hbm4b:s3+s2], $0x2000, $0x38;
	[tilespmem:$0x3000] =	vst v63  }
0xf: {  	_ =	swait.ge [sflag:s9], $0x2000  }
0x10: {  	s15 =	sand.u32 $0x70, s2;
	s16 =	sand.u32 $0x1C00, s2;
	[sflag:s9] =	ssyncset.done $0x0  }
0x11: {  	s15 =	sor.u32 s15, s16;
	[sflag:s9] =	ssyncadd.s32 $0xFFFFE000  }
0x12: {  	v1 =	vld [tilespmem:s15+$0x0]  }
0x13: {  	v2 =	vld [tilespmem:s15+$0x80];
	_ =	sdelay $0x1  }
0x14: {  	v3 =	vld [tilespmem:s15+$0x100];
	_ =	sdelay $0x1  }
0x15: {  	v4 =	vld [tilespmem:s15+$0x180]  }
0x16: {  	vm0 =	vgt.f32 v2, v1  }
0x17: {  	v5 =	vld [tilespmem:s15+$0x200];
	v6 =	vsel vm0, v2, v1  }
0x18: {  	vm1 =	vgt.f32 v3, v6  }
0x19: {  	v7 =	vld [tilespmem:s15+$0x280];
	v6 =	vsel vm1, v3, v6  }
0x1a: {  	vm2 =	vgt.f32 v4, v6  }
0x1b: {  	v8 =	vld [tilespmem:s15+$0x300];
	v6 =	vsel vm2, v4, v6  }
0x1c: {  	vm3 =	vgt.f32 v5, v6  }
0x1d: {  	v9 =	vld [tilespmem:s15+$0x380];
	v6 =	vsel vm3, v5, v6  }
0x1e: {  	v10 =	vsel vm0, $0x1, v0;
	vm14 =	vgt.f32 v7, v6  }
0x1f: {  	v10 =	vsel vm1, $0x2, v10;
	v6 =	vsel vm14, v7, v6  }
0x20: {  	v10 =	vsel vm2, $0x3, v10;
	vm15 =	vgt.f32 v8, v6  }
0x21: {  	v10 =	vsel vm3, $0x4, v10;
	v6 =	vsel vm15, v8, v6  }
0x22: {  	v10 =	vsel vm14, $0x5, v10;
	vm4 =	vgt.f32 v9, v6  }
0x23: {  	v10 =	vsel vm15, $0x6, v10;
	vm0 =	vmneg vm4  }
0x24: {  	v10 =	vnsel vm0, $0x7, v10  }
0x25: {  	vm5 =	vgt.f32 v1, $-1.000000020e+30;
	vm6 =	vne.s32 v10, $0x0  }
0x26: {  	vm1 =	vmand vm5, vm6  }
0x27: {  	v1 =	vnsel vm1, $0xF149F2CA, v1  }
0x28: {  	vm7 =	vne.s32 v10, $0x1;
	vm8 =	vgt.f32 v2, v1  }
0x29: {  	vm1 =	vmand vm7, vm8  }
0x2a: {  	v1 =	vsel vm1, v2, v1  }
0x2b: {  	vm9 =	vne.s32 v10, $0x2;
	vm10 =	vgt.f32 v3, v1  }
0x2c: {  	vm2 =	vmand vm9, vm10  }
0x2d: {  	v1 =	vsel vm2, v3, v1  }
0x2e: {  	vm11 =	vne.s32 v10, $0x3;
	vm4 =	vgt.f32 v4, v1  }
0x2f: {  	vm3 =	vmand vm11, vm4  }
0x30: {  	v1 =	vsel vm3, v4, v1  }
0x31: {  	vm12 =	vne.s32 v10, $0x4;
	vm5 =	vgt.f32 v5, v1  }
0x32: {  	vm4 =	vmand vm12, vm5  }
0x33: {  	v1 =	vsel vm4, v5, v1  }
0x34: {  	vm13 =	vne.s32 v10, $0x5;
	vm6 =	vgt.f32 v7, v1  }
0x35: {  	vm5 =	vmand vm13, vm6  }
0x36: {  	v1 =	vsel vm5, v7, v1  }
0x37: {  	vm14 =	vne.s32 v10, $0x6;
	vm7 =	vgt.f32 v8, v1  }
0x38: {  	vm6 =	vmand vm14, vm7  }
0x39: {  	v1 =	vsel vm6, v8, v1  }
0x3a: {  	vm15 =	vgt.f32 v9, v1  }
0x3b: {  	vm7 =	vmand vm0, vm15  }
0x3c: {  	v2 =	vsel vm0, v6, v9;
	v1 =	vsel vm7, v9, v1  }
0x3d: {  	v1 =	vsub.f32 v1, v2;
	_ =	sdelay $0x1  }
0x3e: {  	v1 =	vmul.f32 $1.442695020e+00, v1;
	_ =	sdelay $0x1  }
0x3f: {  	(erf) = vpow2.f32 v1;
	_ =	sdelay $0x8  }
0x40: {  	v1 =	vpop (erf)  }
0x41: {  	v1 =	vadd.f32 $1.000000000e+00, v1;
	_ =	sdelay $0x1  }
0x42: {  	(erf) = vrcp.f32 v1;
	v1 =	vsel vm1, $0x1, v0  }
0x43: {  	v1 =	vsel vm2, $0x2, v1  }
0x44: {  	v1 =	vsel vm3, $0x3, v1  }
0x45: {  	v1 =	vsel vm4, $0x4, v1  }
0x46: {  	v1 =	vsel vm5, $0x5, v1  }
0x47: {  	v1 =	vsel vm6, $0x6, v1  }
0x48: {  	v1 =	vsel vm7, $0x7, v1;
	_ =	sdelay $0x1  }
0x49: {  	s31 =	simm.s32 $0x10;
	s24 =	simm.s32 $0x20;
	s20 =	simm.s32 $0x80;
	[tilespmem:s10+$0x0] =	vst v10  }
0x4a: {  	s18 =	simm.s32 $0x2010;
	s17 =	simm.s32 $0x2410;
	s21 =	simm.s32 $0x2C00;
	[tilespmem:s11+$0x0] =	vst v1;
	v1 =	vpop (erf)  }
0x4b: {  	s19 =	sand.u32 $0x70, s31;
	s16 =	simm.s32 $0x2C10;
	s15 =	simm.s32 $0x2810;
	[tilespmem:s12+$0x0] =	vst v1;
	v1 =	vsub.f32 $1.000000000e+00, v1  }
.LBB2_2:
0x4c: {  	s25 =	sand.u32 $0x70, s24;
	s22 =	smov.u32 s24  }
0x4d: {  	s26 =	sand.u32 $0x1C00, s20;
	s23 =	smov.u32 s15;
	s22 =	sadd.s32 $0x10, s24  }
0x4e: {  	p0 =	sne.s32 s24, $0x3F0;
	s24 =	sor.u32 s19, s26;
	s19 =	smov.u32 s25;
	[tilespmem:s21+$0x0] =	vst v1  }
0x4f: {  	s21 =	smov.u32 s16;
	v1 =	vld [tilespmem:s24+$0x0]  }
0x50: {  	v2 =	vld [tilespmem:s24+$0x80]  }
0x51: {  	v3 =	vld [tilespmem:s24+$0x100];
	_ =	sdelay $0x1  }
0x52: {  	v4 =	vld [tilespmem:s24+$0x180];
	_ =	sdelay $0x1  }
0x53: {  	v5 =	vld [tilespmem:s24+$0x200];
	vm0 =	vgt.f32 v2, v1  }
0x54: {  	v6 =	vsel vm0, v2, v1  }
0x55: {  	v7 =	vld [tilespmem:s24+$0x280];
	vm1 =	vgt.f32 v3, v6  }
0x56: {  	v6 =	vsel vm1, v3, v6  }
0x57: {  	v8 =	vld [tilespmem:s24+$0x300];
	vm2 =	vgt.f32 v4, v6  }
0x58: {  	v6 =	vsel vm2, v4, v6  }
0x59: {  	v9 =	vld [tilespmem:s24+$0x380];
	vm3 =	vgt.f32 v5, v6  }
0x5a: {  	v10 =	vsel vm0, $0x1, v0;
	v6 =	vsel vm3, v5, v6  }
0x5b: {  	v10 =	vsel vm1, $0x2, v10;
	vm0 =	vgt.f32 v7, v6  }
0x5c: {  	v10 =	vsel vm2, $0x3, v10;
	v6 =	vsel vm0, v7, v6  }
0x5d: {  	v10 =	vsel vm3, $0x4, v10;
	vm1 =	vgt.f32 v8, v6  }
0x5e: {  	v10 =	vsel vm0, $0x5, v10;
	v6 =	vsel vm1, v8, v6  }
0x5f: {  	v10 =	vsel vm1, $0x6, v10;
	vm0 =	vgt.f32 v9, v6  }
0x60: {  	vm0 =	vmneg vm0  }
0x61: {  	vm1 =	vgt.f32 v1, $-1.000000020e+30;
	v6 =	vsel vm0, v6, v9;
	v10 =	vnsel vm0, $0x7, v10  }
0x62: {  	vm2 =	vne.s32 v10, $0x0;
	[tilespmem:s18+$0x0] =	vst v10  }
0x63: {  	vm1 =	vmand vm1, vm2  }
0x64: {  	v1 =	vnsel vm1, $0xF149F2CA, v1;
	vm1 =	vne.s32 v10, $0x1  }
0x65: {  	vm2 =	vgt.f32 v2, v1  }
0x66: {  	vm1 =	vmand vm1, vm2  }
0x67: {  	vm2 =	vne.s32 v10, $0x2;
	v1 =	vsel vm1, v2, v1  }
0x68: {  	vm3 =	vgt.f32 v3, v1  }
0x69: {  	v2 =	vsel vm1, $0x1, v0;
	vm1 =	vmand vm2, vm3  }
0x6a: {  	v1 =	vsel vm1, v3, v1;
	v2 =	vsel vm1, $0x2, v2;
	vm1 =	vne.s32 v10, $0x3  }
0x6b: {  	vm2 =	vgt.f32 v4, v1  }
0x6c: {  	vm1 =	vmand vm1, vm2  }
0x6d: {  	v1 =	vsel vm1, v4, v1;
	v2 =	vsel vm1, $0x3, v2;
	vm1 =	vne.s32 v10, $0x4  }
0x6e: {  	vm2 =	vgt.f32 v5, v1  }
0x6f: {  	vm1 =	vmand vm1, vm2  }
0x70: {  	v1 =	vsel vm1, v5, v1;
	v2 =	vsel vm1, $0x4, v2;
	vm1 =	vne.s32 v10, $0x5  }
0x71: {  	vm2 =	vgt.f32 v7, v1  }
0x72: {  	vm1 =	vmand vm1, vm2  }
0x73: {  	v1 =	vsel vm1, v7, v1;
	v2 =	vsel vm1, $0x5, v2;
	vm1 =	vne.s32 v10, $0x6  }
0x74: {  	vm2 =	vgt.f32 v8, v1  }
0x75: {  	vm1 =	vmand vm1, vm2  }
0x76: {  	v1 =	vsel vm1, v8, v1  }
0x77: {  	vm2 =	vgt.f32 v9, v1  }
0x78: {  	v2 =	vsel vm1, $0x6, v2;
	vm0 =	vmand vm0, vm2  }
0x79: {  	v1 =	vsel vm0, v9, v1;
	v2 =	vsel vm0, $0x7, v2  }
0x7a: {  	v1 =	vsub.f32 v1, v6;
	[tilespmem:s17+$0x0] =	vst v2;
	_ =	sdelay $0x1  }
0x7b: {  	v1 =	vmul.f32 $1.442695020e+00, v1;
	_ =	sdelay $0x1  }
0x7c: {  	(erf) = vpow2.f32 v1;
	_ =	sdelay $0x8  }
0x7d: {  	v1 =	vpop (erf)  }
0x7e: {  	v1 =	vadd.f32 $1.000000000e+00, v1;
	_ =	sdelay $0x1  }
0x7f: {  	(erf) = vrcp.f32 v1;
	_ =	sdelay $0x5  }
.Ltmp0:
0x80: {  	(pc) =	sbr.rel @p0 .LBB2_2-.Ltmp0, $3  }
0x81: {  	_ =	sdelay $0x1  }
0x82: {  	s15 =	sadd.s32 $0x10, s15;
	s20 =	sadd.s32 $0x80, s20;
	s16 =	sadd.s32 $0x10, s16;
	v1 =	vpop (erf)  }
0x83: {  	s24 =	smov.u32 s22;
	s18 =	sadd.s32 $0x10, s18;
	s17 =	sadd.s32 $0x10, s17;
	[tilespmem:s23+$0x0] =	vst v1;
	v1 =	vsub.f32 $1.000000000e+00, v1  }
0x84: {  	s20 =	sand.u32 $0x1C00, s20  }
0x85: {  	s19 =	sor.u32 s19, s20;
	[tilespmem:s21+$0x0] =	vst v1  }
0x86: {  	v1 =	vld [tilespmem:s19+$0x0]  }
0x87: {  	v2 =	vld [tilespmem:s19+$0x80];
	_ =	sdelay $0x1  }
0x88: {  	v3 =	vld [tilespmem:s19+$0x100];
	_ =	sdelay $0x1  }
0x89: {  	v4 =	vld [tilespmem:s19+$0x180]  }
0x8a: {  	vm0 =	vgt.f32 v2, v1  }
0x8b: {  	v5 =	vld [tilespmem:s19+$0x200];
	v6 =	vsel vm0, v2, v1  }
0x8c: {  	vm1 =	vgt.f32 v3, v6  }
0x8d: {  	v7 =	vld [tilespmem:s19+$0x280];
	v6 =	vsel vm1, v3, v6  }
0x8e: {  	vm2 =	vgt.f32 v4, v6  }
0x8f: {  	v8 =	vld [tilespmem:s19+$0x300];
	v6 =	vsel vm2, v4, v6  }
0x90: {  	vm3 =	vgt.f32 v5, v6  }
0x91: {  	v9 =	vld [tilespmem:s19+$0x380];
	v6 =	vsel vm3, v5, v6  }
0x92: {  	v10 =	vsel vm0, $0x1, v0;
	vm14 =	vgt.f32 v7, v6  }
0x93: {  	v10 =	vsel vm1, $0x2, v10;
	v6 =	vsel vm14, v7, v6  }
0x94: {  	v10 =	vsel vm2, $0x3, v10;
	vm15 =	vgt.f32 v8, v6  }
0x95: {  	v10 =	vsel vm3, $0x4, v10;
	v6 =	vsel vm15, v8, v6  }
0x96: {  	v10 =	vsel vm14, $0x5, v10;
	vm4 =	vgt.f32 v9, v6  }
0x97: {  	v10 =	vsel vm15, $0x6, v10;
	vm0 =	vmneg vm4  }
0x98: {  	v10 =	vnsel vm0, $0x7, v10  }
0x99: {  	vm5 =	vgt.f32 v1, $-1.000000020e+30;
	vm6 =	vne.s32 v10, $0x0  }
0x9a: {  	vm1 =	vmand vm5, vm6  }
0x9b: {  	v1 =	vnsel vm1, $0xF149F2CA, v1  }
0x9c: {  	vm7 =	vne.s32 v10, $0x1;
	vm8 =	vgt.f32 v2, v1  }
0x9d: {  	vm1 =	vmand vm7, vm8  }
0x9e: {  	v1 =	vsel vm1, v2, v1  }
0x9f: {  	vm9 =	vne.s32 v10, $0x2;
	vm10 =	vgt.f32 v3, v1  }
0xa0: {  	vm2 =	vmand vm9, vm10  }
0xa1: {  	v1 =	vsel vm2, v3, v1  }
0xa2: {  	vm11 =	vne.s32 v10, $0x3;
	vm4 =	vgt.f32 v4, v1  }
0xa3: {  	vm3 =	vmand vm11, vm4  }
0xa4: {  	v1 =	vsel vm3, v4, v1  }
0xa5: {  	vm12 =	vne.s32 v10, $0x4;
	vm5 =	vgt.f32 v5, v1  }
0xa6: {  	vm4 =	vmand vm12, vm5  }
0xa7: {  	v1 =	vsel vm4, v5, v1  }
0xa8: {  	vm13 =	vne.s32 v10, $0x5;
	vm6 =	vgt.f32 v7, v1  }
0xa9: {  	vm5 =	vmand vm13, vm6  }
0xaa: {  	v1 =	vsel vm5, v7, v1  }
0xab: {  	vm14 =	vne.s32 v10, $0x6;
	vm7 =	vgt.f32 v8, v1  }
0xac: {  	vm6 =	vmand vm14, vm7  }
0xad: {  	v1 =	vsel vm6, v8, v1  }
0xae: {  	vm15 =	vgt.f32 v9, v1  }
0xaf: {  	vm7 =	vmand vm0, vm15  }
0xb0: {  	v2 =	vsel vm0, v6, v9;
	v1 =	vsel vm7, v9, v1  }
0xb1: {  	v1 =	vsub.f32 v1, v2;
	_ =	sdelay $0x1  }
0xb2: {  	v1 =	vmul.f32 $1.442695020e+00, v1;
	_ =	sdelay $0x1  }
0xb3: {  	(erf) = vpow2.f32 v1;
	_ =	sdelay $0x8  }
0xb4: {  	v1 =	vpop (erf)  }
0xb5: {  	v1 =	vadd.f32 $1.000000000e+00, v1;
	_ =	sdelay $0x1  }
0xb6: {  	(erf) = vrcp.f32 v1;
	_ =	sdelay $0x2  }
0xb7: {  	v1 =	vsel vm1, $0x1, v0  }
0xb8: {  	v1 =	vsel vm2, $0x2, v1  }
0xb9: {  	v1 =	vsel vm3, $0x3, v1  }
0xba: {  	v1 =	vsel vm4, $0x4, v1  }
0xbb: {  	v1 =	vsel vm5, $0x5, v1  }
0xbc: {  	v1 =	vsel vm6, $0x6, v1  }
0xbd: {  	[tilespmem:s18+$0x0] =	vst v10;
	v1 =	vsel vm7, $0x7, v1;
	v2 =	vpop (erf)  }
0xbe: {  	[tilespmem:s17+$0x0] =	vst v1;
	v1 =	vsub.f32 $1.000000000e+00, v2  }
0xbf: {  	[tilespmem:s15+$0x0] =	vst v2  }
0xc0: {  	[tilespmem:s16+$0x0] =	vst v1  }
0xc1: {  	[hbm4b:s4+s2] =	stream.linear.scatter [tilespmem:s10], [sflag:$0x1], $0x400, $0x38;
	[tilespmem:$0x3000] =	vst v63  }
0xc2: {  	_ =	swait.ge [sflag:s9], $0x400  }
0xc3: {  	[sflag:s9] =	ssyncset.done $0x0  }
0xc4: {  	[sflag:s9] =	ssyncadd.s32 $0xFFFFFC00  }
0xc5: {  	[hbm4b:s5+s2] =	stream.linear.scatter [tilespmem:s11], [sflag:$0x1], $0x400, $0x38;
	[tilespmem:$0x3000] =	vst v63  }
0xc6: {  	_ =	swait.ge [sflag:s9], $0x400  }
0xc7: {  	[sflag:s9] =	ssyncset.done $0x0  }
0xc8: {  	[sflag:s9] =	ssyncadd.s32 $0xFFFFFC00  }
0xc9: {  	[hbm4b:s6+s2] =	stream.linear.scatter [tilespmem:s12], [sflag:$0x1], $0x400, $0x38;
	[tilespmem:$0x3000] =	vst v63  }
0xca: {  	s14 =	sadd.s32 $0x1, s14;
	_ =	swait.ge [sflag:s9], $0x400  }
0xcb: {  	p0 =	sne.s32 s14, s8;
	[sflag:s9] =	ssyncset.done $0x0  }
.Ltmp1:
0xcc: {  	[sflag:s9] =	ssyncadd.s32 $0xFFFFFC00;
	(pc) =	sbr.rel @p0 .LBB2_1-.Ltmp1, $4  }
0xcd: {  	[hbm4b:s7+s2] =	stream.linear.scatter [tilespmem:s13], [sflag:$0x1], $0x400, $0x38;
	[tilespmem:$0x3000] =	vst v63  }
0xce: {  	_ =	swait.ge [sflag:s9], $0x400  }
0xcf: {  	[sflag:s9] =	ssyncset.done $0x0  }
0xd0: {  	[sflag:s9] =	ssyncadd.s32 $0xFFFFFC00  }
0xd1: {  	_ =	sfence.sel $0x180000  }
0xd2: {  	[bflag:$0x0] =	sbarrier.arrive $0xFFFF  }
0xd3: {  	p0 =	sne.s32 s1, $0x0;
	_ =	strace $0x90000047  }
0xd4: {  	s0 =	sadd.s32 @!p0 $0x100000, s0;
	[bflag:$0x2] =	sbarrier.arrive $0xFFFF  }
0xd5: {  	[sflag:s0] =	ssyncadd.tile.s32 @!p0 $0x1;
	_ =	shalt  }
.Lfunc_end2:
_tile_overlayer_lowered:
.L_overlay_start_2:
0xd6: {  	(tag) =	ssettag $0x2  }
0xd7: {  	s0 =	rddreg [dreg:$0x0];
	s2 =	stileid.u32  }
0xd8: {  	s1 =	rddreg [dreg:$0x1];
	p0 =	sne.s32 s2, $0x0  }
0xd9: {  	s3 =	rddreg [dreg:$0x2];
	[bflag:$0x3] =	sbarrier.arrive $0xFFFF;
	s2 =	simm.s32 @!p0 $0x1C01  }
0xda: {  	[timem:s3], [sflag:s2] =	dma.local @!p0 [hbm:s0], s1  }
0xdb: {  	s0 =	simm.s32 @!p0 $0x1  }
0xdc: {  	_ =	swait.ge @!p0 [sflag:s0], s1  }
0xdd: {  	s1 =	ssub.s32 @!p0 $0x0, s1;
	[sflag:s0] =	ssyncset.done @!p0 $0x0  }
0xde: {  	[sflag:s0] =	ssyncadd.s32 @!p0 s1  }
0xdf: {  	[bflag:$0x3] =	sbarrier.arrive $0xFFFF  }
0xe0: {  	_ =	shalt  }

</sc_bundles>
